<compile_context>
chip_gen: v7x
topology: tpu7x:2x2x1
jax: 0.10.2.dev20260603
libtpu: 0.0.44.dev20260713+nightly
codegen_flags: <defaults>
</compile_context>

<pallas_src>
import functools

import jax
import jax.numpy as jnp
from jax import lax
from jax.experimental import pallas as pl
from jax.experimental.pallas import tpu as pltpu
from jax.experimental.pallas import tpu_sc as plsc

VOCAB = 100
L0DIM = 128
HID = 64
LANES = 16
TABLE_PAD = 128


def _mlp_table_kernel(emb_ref, w1t_ref, b1_ref, w2_ref, b2_ref, out_ref):
    h = lax.dot_general(
        emb_ref[...],
        w1t_ref[...],
        (((1,), (1,)), ((), ())),
        preferred_element_type=jnp.float32,
    )
    h = h + b1_ref[...]
    h = h * jax.nn.sigmoid(h)
    t = lax.dot_general(
        h, w2_ref[...], (((1,), (0,)), ((), ())), preferred_element_type=jnp.float32
    )
    t = t + b2_ref[...]
    out_ref[...] = jnp.pad(t, (0, TABLE_PAD - VOCAB))


NSLICES = 2


def _gather_body(
    num_cores,
    chunk,
    n,
    z_hbm,
    table_hbm,
    out_hbm,
    idx_v,
    table_v,
    out_v,
    in_sems,
    out_sem,
):
    sl = chunk // NSLICES
    rows = sl // LANES
    wid = lax.axis_index("s") * num_cores + lax.axis_index("c")
    base = pl.multiple_of(jnp.minimum(wid * chunk, n - chunk), LANES)

    in_copies = [
        pltpu.async_copy(
            z_hbm.at[pl.ds(base + s * sl, sl)], idx_v.at[pl.ds(s * sl, sl)], in_sems[s]
        )
        for s in range(NSLICES)
    ]
    pltpu.sync_copy(table_hbm, table_v)

    out_copies = []
    for s in range(NSLICES):
        in_copies[s].wait()

        @plsc.parallel_loop(0, rows, unroll=7)
        def _(i, s=s):
            off = s * sl + i * LANES
            idx = idx_v[pl.ds(off, LANES)]
            out_v[pl.ds(off, LANES)] = plsc.load_gather(table_v, [idx])

        out_copies.append(
            pltpu.async_copy(
                out_v.at[pl.ds(s * sl, sl)],
                out_hbm.at[pl.ds(base + s * sl, sl)],
                out_sem,
            )
        )
    for c in out_copies:
        c.wait()


def kernel(z, batch, pos, emb_table, W1, b1, W2, b2):
    del batch, pos

    table = pl.pallas_call(
        _mlp_table_kernel,
        out_shape=jax.ShapeDtypeStruct((TABLE_PAD,), jnp.float32),
    )(emb_table, W1.T, b1, W2.reshape(-1), b2)

    mesh = plsc.VectorSubcoreMesh(core_axis_name="c", subcore_axis_name="s")
    num_workers = mesh.num_cores * mesh.num_subcores
    n = z.shape[0]
    chunk = -(-n // (num_workers * LANES)) * LANES

    gather = pl.kernel(
        functools.partial(_gather_body, mesh.num_cores, chunk, n),
        out_type=jax.ShapeDtypeStruct((n,), jnp.float32),
        mesh=mesh,
        compiler_params=pltpu.CompilerParams(needs_layout_passes=False),
        scratch_types=[
            pltpu.VMEM((chunk,), jnp.int32),
            pltpu.VMEM((TABLE_PAD,), jnp.float32),
            pltpu.VMEM((chunk,), jnp.float32),
            [pltpu.SemaphoreType.DMA for _ in range(NSLICES)],
            pltpu.SemaphoreType.DMA,
        ],
    )
    return gather(z.astype(jnp.int32), table).reshape(n, 1)

# --- scband reference (transcript-rebuilt; emitter-appended) ---
"""Pipeline reference for scband-exchange-11055245820589 (READ-ONLY COPY).

The authoritative reference and input builder live on the scoring server;
editing this copy changes nothing except your own understanding.
"""

import jax, jax.numpy as jnp
import numpy as np

N = 100000
VOCAB = 100
L0DIM = 128
HID = 64

def setup_inputs(seed: int = 0) -> dict:
    key = jax.random.key(seed)
    k1, k2, k3, k4, k5, k6, k7 = jax.random.split(key, 7)
    z = jax.random.randint(k1, (N,), 0, VOCAB, dtype=jnp.int64) if jax.config.jax_enable_x64 else jax.random.randint(k1, (N,), 0, VOCAB, dtype=jnp.int32)
    batch = jnp.sort(jax.random.randint(k2, (N,), 0, 64, dtype=jnp.int32))
    pos = jax.random.normal(k3, (N, 3), dtype=jnp.float32)
    emb_table = jax.random.normal(k4, (VOCAB, L0DIM), dtype=jnp.float32)
    W1 = jax.random.normal(k5, (L0DIM, HID), dtype=jnp.float32) * (1.0 / np.sqrt(L0DIM))
    b1 = jnp.zeros((HID,), dtype=jnp.float32)
    W2 = jax.random.normal(k6, (HID, 1), dtype=jnp.float32) * (1.0 / np.sqrt(HID))
    b2 = jnp.zeros((1,), dtype=jnp.float32)
    return {"z": z, "batch": batch, "pos": pos, "emb_table": emb_table, "W1": W1, "b1": b1, "W2": W2, "b2": b2}

def reference(z, batch, pos, emb_table, W1, b1, W2, b2):
    # nodes = self.embedding(z)  -> gather from embedding table
    nodes = jnp.take(emb_table, z, axis=0)
    # radius_graph(pos, r=8.0, batch=batch) in the original forward is dead code:
    # its result is never assigned or used, so it has no effect on the output.
    # x.squeeze(-1) in torch is a no-op when the last dim is not size 1 (l0dim=128).
    x = nodes
    # self.mlp: Linear(l0dim, 64) -> SiLU -> Linear(64, 1)
    h = x @ W1 + b1
    h = h * jax.nn.sigmoid(h)  # SiLU
    out = h @ W2 + b2
    return out

if __name__ == "__main__":
    import jax
    _d = setup_inputs()
    print(jax.jit(kernel)(*tuple(_d.values())))

</pallas_src>

<mosaic_0001>
#map = affine_map<(d0, d1) -> (0)>
module attributes {stable_mosaic.version = 14 : i64} {
  func.func @_gather_body(%arg0: i32, %arg1: i32, %arg2: memref<100000xi32, #tpu.memory_space<hbm>>, %arg3: memref<128xf32, #tpu.memory_space<hbm>>, %arg4: memref<100000xf32, #tpu.memory_space<hbm>>, %arg5: memref<3136xi32, #tpu.memory_space<vmem>>, %arg6: memref<128xf32, #tpu.memory_space<vmem>>, %arg7: memref<3136xf32, #tpu.memory_space<vmem>>, %arg8: memref<!tpu.dma_semaphore, #tpu.memory_space<semaphore_mem>>, %arg9: memref<!tpu.dma_semaphore, #tpu.memory_space<semaphore_mem>>, %arg10: memref<!tpu.dma_semaphore, #tpu.memory_space<semaphore_mem>>) attributes {dimension_semantics = [#tpu.dimension_semantics<core_parallel>, #tpu.dimension_semantics<subcore_parallel>], iteration_bounds = array<i64: 2, 16>, scalar_prefetch = 0 : i64, scratch_operands = 6 : i64, tpu.core_type = #tpu.core_type<sc_vector_subcore>, window_params = [{transform_indices = #map}, {transform_indices = #map}, {transform_indices = #map}]} {
    %mul3A = arith.constant 2 : i32
    %mul3A_0 = arith.muli %arg1, %mul3A : i32
    %add3A = arith.addi %mul3A_0, %arg0 : i32
    %mul3A_1 = arith.constant 3136 : i32
    %mul3A_2 = arith.muli %add3A, %mul3A_1 : i32
    %min3A = arith.constant 96864 : i32
    %min3A_3 = arith.minsi %mul3A_2, %min3A : i32
    %multiple_of3A = tpu.assume_multiple %min3A_3, 16 : i32
    %add3A_4 = arith.constant 0 : i32
    %add3A_5 = arith.addi %multiple_of3A, %add3A_4 : i32
    %dma_start3A = arith.constant 0 : i32
    %dma_start3A_6 = tpu.memref_slice %arg5[%dma_start3A] : memref<3136xi32, #tpu.memory_space<vmem>> -> memref<1568xi32, #tpu.memory_space<vmem>>
    %dma_start3A_7 = tpu.memref_slice %arg2[%add3A_5] : memref<100000xi32, #tpu.memory_space<hbm>> -> memref<1568xi32, #tpu.memory_space<hbm>>
    %dma_start3A_8 = arith.constant 0 : i32
    %dma_start3A_9 = tpu.memref_slice %arg5[%dma_start3A_8] : memref<3136xi32, #tpu.memory_space<vmem>> -> memref<1568xi32, #tpu.memory_space<vmem>>
    %dma_start3A_10 = tpu.memref_slice %arg2[%add3A_5] : memref<100000xi32, #tpu.memory_space<hbm>> -> memref<1568xi32, #tpu.memory_space<hbm>>
    tpu.enqueue_dma source(%dma_start3A_10 : memref<1568xi32, #tpu.memory_space<hbm>>) target(%dma_start3A_9 : memref<1568xi32, #tpu.memory_space<vmem>>) target_semaphore(%arg8 : memref<!tpu.dma_semaphore, #tpu.memory_space<semaphore_mem>>)
    %add3A_11 = arith.constant 1568 : i32
    %add3A_12 = arith.addi %multiple_of3A, %add3A_11 : i32
    %dma_start3A_13 = arith.constant 1568 : i32
    %dma_start3A_14 = tpu.memref_slice %arg5[%dma_start3A_13] : memref<3136xi32, #tpu.memory_space<vmem>> -> memref<1568xi32, #tpu.memory_space<vmem>>
    %dma_start3A_15 = tpu.memref_slice %arg2[%add3A_12] : memref<100000xi32, #tpu.memory_space<hbm>> -> memref<1568xi32, #tpu.memory_space<hbm>>
    %dma_start3A_16 = arith.constant 1568 : i32
    %dma_start3A_17 = tpu.memref_slice %arg5[%dma_start3A_16] : memref<3136xi32, #tpu.memory_space<vmem>> -> memref<1568xi32, #tpu.memory_space<vmem>>
    %dma_start3A_18 = tpu.memref_slice %arg2[%add3A_12] : memref<100000xi32, #tpu.memory_space<hbm>> -> memref<1568xi32, #tpu.memory_space<hbm>>
    tpu.enqueue_dma source(%dma_start3A_18 : memref<1568xi32, #tpu.memory_space<hbm>>) target(%dma_start3A_17 : memref<1568xi32, #tpu.memory_space<vmem>>) target_semaphore(%arg9 : memref<!tpu.dma_semaphore, #tpu.memory_space<semaphore_mem>>)
    "tpu.region"() ({
      %run_scoped3A = tpu.sem_alloc : memref<!tpu.dma_semaphore, #tpu.memory_space<semaphore_mem>>
      tpu.enqueue_dma source(%arg3 : memref<128xf32, #tpu.memory_space<hbm>>) target(%arg6 : memref<128xf32, #tpu.memory_space<vmem>>) target_semaphore(%run_scoped3A : memref<!tpu.dma_semaphore, #tpu.memory_space<semaphore_mem>>)
      tpu.wait_dma2 semaphore(%run_scoped3A : memref<!tpu.dma_semaphore, #tpu.memory_space<semaphore_mem>>) src(%arg3 : memref<128xf32, #tpu.memory_space<hbm>>) dst(%arg6 : memref<128xf32, #tpu.memory_space<vmem>>)
      tpu.yield
    }) : () -> ()
    %dma_wait3A = arith.constant 0 : i32
    %dma_wait3A_19 = tpu.memref_slice %arg5[%dma_wait3A] : memref<3136xi32, #tpu.memory_space<vmem>> -> memref<1568xi32, #tpu.memory_space<vmem>>
    %dma_wait3A_20 = tpu.memref_slice %arg2[%add3A_5] : memref<100000xi32, #tpu.memory_space<hbm>> -> memref<1568xi32, #tpu.memory_space<hbm>>
    %dma_wait3A_21 = arith.constant 0 : i32
    %dma_wait3A_22 = tpu.memref_slice %arg5[%dma_wait3A_21] : memref<3136xi32, #tpu.memory_space<vmem>> -> memref<1568xi32, #tpu.memory_space<vmem>>
    %dma_wait3A_23 = tpu.memref_slice %arg2[%add3A_5] : memref<100000xi32, #tpu.memory_space<hbm>> -> memref<1568xi32, #tpu.memory_space<hbm>>
    tpu.wait_dma2 semaphore(%arg8 : memref<!tpu.dma_semaphore, #tpu.memory_space<semaphore_mem>>) src(%dma_wait3A_23 : memref<1568xi32, #tpu.memory_space<hbm>>) dst(%dma_wait3A_22 : memref<1568xi32, #tpu.memory_space<vmem>>)
    %parallel_loop3A = arith.constant 0 : i32
    %parallel_loop3A_24 = arith.constant 98 : i32
    %parallel_loop3A_25 = arith.constant 1 : i32
    scf.for %parallel_loop3A_63 = %parallel_loop3A to %parallel_loop3A_24 step %parallel_loop3A_25  : i32 {
      %parallel_loop3A_64 = arith.constant 16 : i32
      %parallel_loop3A_65 = arith.muli %parallel_loop3A_63, %parallel_loop3A_64 : i32
      %parallel_loop3A_66 = arith.constant 0 : i32
      %parallel_loop3A_67 = arith.addi %parallel_loop3A_66, %parallel_loop3A_65 : i32
      %parallel_loop3A_68 = arith.index_cast %parallel_loop3A_67 : i32 to index
      %parallel_loop3A_69 = tpu.vector_load %arg5[%parallel_loop3A_68] {strides = array<i32>} : memref<3136xi32, #tpu.memory_space<vmem>>, vector<16xi32>,
      %parallel_loop3A_70 = tpu.vector_load_idx %arg6[%parallel_loop3A_69] : memref<128xf32, #tpu.memory_space<vmem>>[vector<16xi32>], vector<16xf32>,
      %parallel_loop3A_71 = arith.index_cast %parallel_loop3A_67 : i32 to index
      %parallel_loop3A_72 = tpu.vector_load %arg7[%parallel_loop3A_71] {strides = array<i32>} : memref<3136xf32, #tpu.memory_space<vmem>>, vector<16xf32>,
      tpu.vector_store %arg7[%parallel_loop3A_71], %parallel_loop3A_70 {strides = array<i32>} : memref<3136xf32, #tpu.memory_space<vmem>>, vector<16xf32>,
    } {sc.loop_unroll_factor = 7 : i64, sc.parallel_access}
    %add3A_26 = arith.constant 0 : i32
    %add3A_27 = arith.addi %multiple_of3A, %add3A_26 : i32
    %dma_start3A_28 = arith.constant 0 : i32
    %dma_start3A_29 = tpu.memref_slice %arg7[%dma_start3A_28] : memref<3136xf32, #tpu.memory_space<vmem>> -> memref<1568xf32, #tpu.memory_space<vmem>>
    %dma_start3A_30 = tpu.memref_slice %arg4[%add3A_27] : memref<100000xf32, #tpu.memory_space<hbm>> -> memref<1568xf32, #tpu.memory_space<hbm>>
    %dma_start3A_31 = tpu.memref_slice %arg4[%add3A_27] : memref<100000xf32, #tpu.memory_space<hbm>> -> memref<1568xf32, #tpu.memory_space<hbm>>
    %dma_start3A_32 = arith.constant 0 : i32
    %dma_start3A_33 = tpu.memref_slice %arg7[%dma_start3A_32] : memref<3136xf32, #tpu.memory_space<vmem>> -> memref<1568xf32, #tpu.memory_space<vmem>>
    tpu.enqueue_dma source(%dma_start3A_33 : memref<1568xf32, #tpu.memory_space<vmem>>) target(%dma_start3A_31 : memref<1568xf32, #tpu.memory_space<hbm>>) target_semaphore(%arg10 : memref<!tpu.dma_semaphore, #tpu.memory_space<semaphore_mem>>)
    %dma_wait3A_34 = arith.constant 1568 : i32
    %dma_wait3A_35 = tpu.memref_slice %arg5[%dma_wait3A_34] : memref<3136xi32, #tpu.memory_space<vmem>> -> memref<1568xi32, #tpu.memory_space<vmem>>
    %dma_wait3A_36 = tpu.memref_slice %arg2[%add3A_12] : memref<100000xi32, #tpu.memory_space<hbm>> -> memref<1568xi32, #tpu.memory_space<hbm>>
    %dma_wait3A_37 = arith.constant 1568 : i32
    %dma_wait3A_38 = tpu.memref_slice %arg5[%dma_wait3A_37] : memref<3136xi32, #tpu.memory_space<vmem>> -> memref<1568xi32, #tpu.memory_space<vmem>>
    %dma_wait3A_39 = tpu.memref_slice %arg2[%add3A_12] : memref<100000xi32, #tpu.memory_space<hbm>> -> memref<1568xi32, #tpu.memory_space<hbm>>
    tpu.wait_dma2 semaphore(%arg9 : memref<!tpu.dma_semaphore, #tpu.memory_space<semaphore_mem>>) src(%dma_wait3A_39 : memref<1568xi32, #tpu.memory_space<hbm>>) dst(%dma_wait3A_38 : memref<1568xi32, #tpu.memory_space<vmem>>)
    %parallel_loop3A_40 = arith.constant 0 : i32
    %parallel_loop3A_41 = arith.constant 98 : i32
    %parallel_loop3A_42 = arith.constant 1 : i32
    scf.for %parallel_loop3A_63 = %parallel_loop3A_40 to %parallel_loop3A_41 step %parallel_loop3A_42  : i32 {
      %parallel_loop3A_64 = arith.constant 16 : i32
      %parallel_loop3A_65 = arith.muli %parallel_loop3A_63, %parallel_loop3A_64 : i32
      %parallel_loop3A_66 = arith.constant 1568 : i32
      %parallel_loop3A_67 = arith.addi %parallel_loop3A_66, %parallel_loop3A_65 : i32
      %parallel_loop3A_68 = arith.index_cast %parallel_loop3A_67 : i32 to index
      %parallel_loop3A_69 = tpu.vector_load %arg5[%parallel_loop3A_68] {strides = array<i32>} : memref<3136xi32, #tpu.memory_space<vmem>>, vector<16xi32>,
      %parallel_loop3A_70 = tpu.vector_load_idx %arg6[%parallel_loop3A_69] : memref<128xf32, #tpu.memory_space<vmem>>[vector<16xi32>], vector<16xf32>,
      %parallel_loop3A_71 = arith.index_cast %parallel_loop3A_67 : i32 to index
      %parallel_loop3A_72 = tpu.vector_load %arg7[%parallel_loop3A_71] {strides = array<i32>} : memref<3136xf32, #tpu.memory_space<vmem>>, vector<16xf32>,
      tpu.vector_store %arg7[%parallel_loop3A_71], %parallel_loop3A_70 {strides = array<i32>} : memref<3136xf32, #tpu.memory_space<vmem>>, vector<16xf32>,
    } {sc.loop_unroll_factor = 7 : i64, sc.parallel_access}
    %add3A_43 = arith.constant 1568 : i32
    %add3A_44 = arith.addi %multiple_of3A, %add3A_43 : i32
    %dma_start3A_45 = arith.constant 1568 : i32
    %dma_start3A_46 = tpu.memref_slice %arg7[%dma_start3A_45] : memref<3136xf32, #tpu.memory_space<vmem>> -> memref<1568xf32, #tpu.memory_space<vmem>>
    %dma_start3A_47 = tpu.memref_slice %arg4[%add3A_44] : memref<100000xf32, #tpu.memory_space<hbm>> -> memref<1568xf32, #tpu.memory_space<hbm>>
    %dma_start3A_48 = tpu.memref_slice %arg4[%add3A_44] : memref<100000xf32, #tpu.memory_space<hbm>> -> memref<1568xf32, #tpu.memory_space<hbm>>
    %dma_start3A_49 = arith.constant 1568 : i32
    %dma_start3A_50 = tpu.memref_slice %arg7[%dma_start3A_49] : memref<3136xf32, #tpu.memory_space<vmem>> -> memref<1568xf32, #tpu.memory_space<vmem>>
    tpu.enqueue_dma source(%dma_start3A_50 : memref<1568xf32, #tpu.memory_space<vmem>>) target(%dma_start3A_48 : memref<1568xf32, #tpu.memory_space<hbm>>) target_semaphore(%arg10 : memref<!tpu.dma_semaphore, #tpu.memory_space<semaphore_mem>>)
    %dma_wait3A_51 = arith.constant 0 : i32
    %dma_wait3A_52 = tpu.memref_slice %arg7[%dma_wait3A_51] : memref<3136xf32, #tpu.memory_space<vmem>> -> memref<1568xf32, #tpu.memory_space<vmem>>
    %dma_wait3A_53 = tpu.memref_slice %arg4[%add3A_27] : memref<100000xf32, #tpu.memory_space<hbm>> -> memref<1568xf32, #tpu.memory_space<hbm>>
    %dma_wait3A_54 = tpu.memref_slice %arg4[%add3A_27] : memref<100000xf32, #tpu.memory_space<hbm>> -> memref<1568xf32, #tpu.memory_space<hbm>>
    %dma_wait3A_55 = arith.constant 0 : i32
    %dma_wait3A_56 = tpu.memref_slice %arg7[%dma_wait3A_55] : memref<3136xf32, #tpu.memory_space<vmem>> -> memref<1568xf32, #tpu.memory_space<vmem>>
    tpu.wait_dma2 semaphore(%arg10 : memref<!tpu.dma_semaphore, #tpu.memory_space<semaphore_mem>>) src(%dma_wait3A_56 : memref<1568xf32, #tpu.memory_space<vmem>>) dst(%dma_wait3A_54 : memref<1568xf32, #tpu.memory_space<hbm>>)
    %dma_wait3A_57 = arith.constant 1568 : i32
    %dma_wait3A_58 = tpu.memref_slice %arg7[%dma_wait3A_57] : memref<3136xf32, #tpu.memory_space<vmem>> -> memref<1568xf32, #tpu.memory_space<vmem>>
    %dma_wait3A_59 = tpu.memref_slice %arg4[%add3A_44] : memref<100000xf32, #tpu.memory_space<hbm>> -> memref<1568xf32, #tpu.memory_space<hbm>>
    %dma_wait3A_60 = tpu.memref_slice %arg4[%add3A_44] : memref<100000xf32, #tpu.memory_space<hbm>> -> memref<1568xf32, #tpu.memory_space<hbm>>
    %dma_wait3A_61 = arith.constant 1568 : i32
    %dma_wait3A_62 = tpu.memref_slice %arg7[%dma_wait3A_61] : memref<3136xf32, #tpu.memory_space<vmem>> -> memref<1568xf32, #tpu.memory_space<vmem>>
    tpu.wait_dma2 semaphore(%arg10 : memref<!tpu.dma_semaphore, #tpu.memory_space<semaphore_mem>>) src(%dma_wait3A_62 : memref<1568xf32, #tpu.memory_space<vmem>>) dst(%dma_wait3A_60 : memref<1568xf32, #tpu.memory_space<hbm>>)
    return
  }
}

module attributes {stable_mosaic.version = 14 : i64} {
  func.func @_mlp_table_kernel(%arg0: memref<100x128xf32, #tpu.memory_space<vmem>>, %arg1: memref<64x128xf32, #tpu.memory_space<vmem>>, %arg2: memref<64xf32, #tpu.memory_space<vmem>>, %arg3: memref<64xf32, #tpu.memory_space<vmem>>, %arg4: memref<1xf32, #tpu.memory_space<vmem>>, %arg5: memref<128xf32, #tpu.memory_space<vmem>>) attributes {dimension_semantics = [], scalar_prefetch = 0 : i64, scratch_operands = 0 : i64, tpu.core_type = #tpu.core_type<tc>} {
    %get3A = arith.constant 0 : index
    %get3A_0 = arith.constant 0 : index
    %get3A_1 = vector.load %arg0[%get3A, %get3A_0] : memref<100x128xf32, #tpu.memory_space<vmem>>, vector<100x128xf32>
    %get3A_2 = arith.constant 0 : index
    %get3A_3 = arith.constant 0 : index
    %get3A_4 = vector.load %arg1[%get3A_2, %get3A_3] : memref<64x128xf32, #tpu.memory_space<vmem>>, vector<64x128xf32>
    %dot_general3A = arith.constant dense<0.000000e+00> : vector<100x64xf32>
    %dot_general3A_5 = tpu.matmul %get3A_1, %get3A_4, %dot_general3A {dimension_numbers = #tpu.dot_dimension_numbers<[1], [1], [0], [0], [0, 0, 1, 0], [], []>, transpose_lhs_hint = false} : vector<100x128xf32>, vector<64x128xf32>, vector<100x64xf32> -> vector<100x64xf32>
    %get3A_6 = arith.constant 0 : index
    %get3A_7 = vector.load %arg2[%get3A_6] : memref<64xf32, #tpu.memory_space<vmem>>, vector<64xf32>
    %broadcast_in_dim3A = vector.shape_cast %get3A_7 : vector<64xf32> to vector<1x64xf32>
    %add3A = vector.broadcast %broadcast_in_dim3A : vector<1x64xf32> to vector<100x64xf32>
    %add3A_8 = arith.addf %dot_general3A_5, %add3A : vector<100x64xf32>
    %logistic3A = arith.negf %add3A_8 : vector<100x64xf32>
    %logistic3A_9 = math.exp %logistic3A : vector<100x64xf32>
    %logistic3A_10 = arith.constant 1.000000e+00 : f32
    %logistic3A_11 = vector.broadcast %logistic3A_10 : f32 to vector<100x64xf32>
    %logistic3A_12 = arith.addf %logistic3A_11, %logistic3A_9 : vector<100x64xf32>
    %logistic3A_13 = arith.divf %logistic3A_11, %logistic3A_12 : vector<100x64xf32>
    %mul3A = arith.mulf %add3A_8, %logistic3A_13 : vector<100x64xf32>
    %get3A_14 = arith.constant 0 : index
    %get3A_15 = vector.load %arg3[%get3A_14] : memref<64xf32, #tpu.memory_space<vmem>>, vector<64xf32>
    %dot_general3A_16 = arith.constant dense<0.000000e+00> : vector<100xf32>
    %dot_general3A_17 = tpu.matmul %mul3A, %get3A_15, %dot_general3A_16 {dimension_numbers = #tpu.dot_dimension_numbers<[1], [0], [0], [], [0, 0], [], []>, transpose_lhs_hint = false} : vector<100x64xf32>, vector<64xf32>, vector<100xf32> -> vector<100xf32>
    %get3A_18 = arith.constant 0 : index
    %get3A_19 = vector.load %arg4[%get3A_18] : memref<1xf32, #tpu.memory_space<vmem>>, vector<1xf32>
    %add3A_20 = vector.broadcast %get3A_19 : vector<1xf32> to vector<100xf32>
    %add3A_21 = arith.addf %dot_general3A_17, %add3A_20 : vector<100xf32>
    %jit3A = arith.constant 0 : i32
    %convert_element_type3A = arith.sitofp %jit3A : i32 to f32
    %pad3A = vector.broadcast %convert_element_type3A : f32 to vector<28xf32>
    %pad3A_22 = tpu.concatenate %add3A_21, %pad3A in 0 : vector<100xf32>, vector<28xf32> -> vector<128xf32>
    %swap3A = arith.constant 0 : index
    %swap3A_23 = vector.load %arg5[%swap3A] : memref<128xf32, #tpu.memory_space<vmem>>, vector<128xf32>
    tpu.vector_store %arg5[%swap3A], %pad3A_22 {strides = array<i32>} : memref<128xf32, #tpu.memory_space<vmem>>, vector<128xf32>,
    return
  }
}

</mosaic_0001>

<sc_bundles>
// kernel: kernel.4.cloned.1.call-start
scs
__scs_entry_jumppad:
0x0: {  	(pc) =	sbr.rel $0x88, $3  }
0x1: {  	(tag) =	ssettag $0x0;
	lr =	simm.s32 $0x1  }
0x2: {  	[smem:$0x3F9B] =	sst lr;
	_ =	strace $0xD0000000  }
0x3: {  	_ = 	snop  }
0x4: {  	_ = 	snop  }
0x5: {  	_ = 	snop  }
0x6: {  	_ = 	snop  }
0x7: {  	_ = 	snop  }
__scs_overlays_trampoline_lowered:
0x8: {  	[smem:$0x3FAA] =	sst s0  }
0x9: {  	[smem:$0x3FAB] =	sst s1  }
0xa: {  	[smem:$0x3FAC] =	sst s2  }
0xb: {  	[smem:$0x3FAD] =	sst s3  }
0xc: {  	[smem:$0x3FAE] =	sst s4  }
0xd: {  	[smem:$0x3FAF] =	sst s5  }
0xe: {  	[smem:$0x3FB0] =	sst s6  }
0xf: {  	[smem:$0x3FB1] =	sst s7  }
0x10: {  	[smem:$0x3FB2] =	sst s8  }
0x11: {  	[smem:$0x3FB3] =	sst s9;
	s0 =	simm.s32 @!p0 $0x0  }
0x12: {  	s1 =	sld [smem:$0x3F99];
	s0 =	simm.s32 @p0 $0x1  }
0x13: {  	[smem:$0x3FB4] =	sst s0;
	s0 =	simm.s32 @!p1 $0x0  }
0x14: {  	s2 =	sld [smem:$0x3F98];
	s0 =	simm.s32 @p1 $0x1  }
0x15: {  	[smem:$0x3FB5] =	sst s0;
	s0 =	simm.s32 @!p2 $0x0  }
0x16: {  	s3 =	sld [smem:$0x3FDB];
	s0 =	simm.s32 @p2 $0x1  }
0x17: {  	s4 =	simm.s32 $0x1BF5;
	[smem:$0x3FB7] =	sst s0  }
0x18: {  	s0 =	sld [smem:$0x3F9A];
	_ =	swait.ge [sflag:s4], $0x0  }
0x19: {  	s7 =	sld [smem:$0x3F9B]  }
0x1a: {  	s8 =	sadd.s32 $0xFFFFE003, lr  }
0x1b: {  	s9 =	sadd.s32 $0xFFFFFEF7, lr;
	s5 =	simm.s32 $0xFFFFFFFF;
	p2 =	slt.u32 s8, $0xFFFFF086  }
0x1c: {  	p1 =	slt.u32 s9, $0xF7A;
	s5 =	simm.s32 @!p2 $0x0  }
0x1d: {  	s5 =	simm.s32 @p1 $0x1;
	p0 =	seq.s32 s7, s2  }
0x1e: {  	s7 =	smul.u32 @!p0 $0xF7A, s2;
	p2 =	seq.s32 @!p0 s5, $0x0  }
0x1f: {  	s9 =	smul.u32 $0xF7A, s1;
	s8 =	simm.s32 @!p0 $0x1BF5;
	p2 =	por !p2, p0  }
0x20: {  	[sflag:s8] =	ssyncset.s32 @!p0 $0xFFFFF086;
	s6 =	sadd.s32 @!p0 s3, s7;
	s7 =	simm.s32 @!p0 $0x108  }
0x21: {  	s3 =	sadd.s32 s3, s9;
	s6 =	sadd.s32 @!p0 $0x88, s6;
	s7 =	simm.s32 @p2 $0x1082  }
0x22: {  	[simem:s7], [sflag:s8] =	dma.local @!p0 [hbm:s6], $0xF7A  }
0x23: {  	s9 =	sor.u32 $0xD0000000, s2;
	s6 =	simm.s32 $0x108;
	_ =	swait.ge @!p0 [sflag:s8], $0x0  }
0x24: {  	s3 =	sadd.s32 $0x88, s3;
	s6 =	simm.s32 @!p1 $0x1082;
	[sflag:s4] =	ssyncset.s32 $0xFFFFF086  }
0x25: {  	[simem:s6], [sflag:s4] =	dma.local [hbm:s3], $0xF7A  }
0x26: {  	[smem:$0x3F9B] =	sst s1;
	(tag) =	ssettag s2;
	_ =	strace s9  }
0x27: {  	s1 =	sld [smem:$0x3FAB]  }
0x28: {  	s2 =	sld [smem:$0x3FAC]  }
0x29: {  	s4 =	sld [smem:$0x3FAE]  }
0x2a: {  	p0 =	seq.s32 s5, $0x0;
	s5 =	sld [smem:$0x3FAF]  }
0x2b: {  	s6 =	sld [smem:$0x3FB0]  }
0x2c: {  	s7 =	sld [smem:$0x3FB1]  }
0x2d: {  	s3 =	simm.s32 $0x108;
	s8 =	sld [smem:$0x3FB2]  }
0x2e: {  	s3 =	simm.s32 @!p0 $0x1082;
	s9 =	sld [smem:$0x3FB3]  }
0x2f: {  	lr =	sadd.s32 s0, s3;
	s0 =	sld [smem:$0x3FAA]  }
0x30: {  	s3 =	sld [smem:$0x3FAD]  }
0x31: {  	[smem:$0x3FB6] =	sst s10  }
0x32: {  	s10 =	sld [smem:$0x3FB4];
	_ =	sdelay $0x3  }
0x33: {  	p0 =	seq.s32 s10, $0x1;
	s10 =	sld [smem:$0x3FB6];
	_ =	sdelay $0x3  }
0x34: {  	[smem:$0x3FB6] =	sst s10  }
0x35: {  	s10 =	sld [smem:$0x3FB5];
	_ =	sdelay $0x3  }
0x36: {  	p1 =	seq.s32 s10, $0x1;
	s10 =	sld [smem:$0x3FB6];
	_ =	sdelay $0x3  }
0x37: {  	[smem:$0x3FB6] =	sst s10  }
0x38: {  	s10 =	sld [smem:$0x3FB7]  }
0x39: {  	_ = 	snop;
	(pc) =	sbr.ind lr, $3  }
0x3a: {  	_ = 	snop  }
0x3b: {  	_ = 	snop  }
0x3c: {  	p2 =	seq.s32 s10, $0x1;
	s10 =	sld [smem:$0x3FB6]  }
0x3d: {  	_ =	shalt  }
0x3e: {  	_ =	shalt  }
0x3f: {  	_ =	shalt  }
0x40: {  	_ =	shalt  }
0x41: {  	_ =	shalt  }
0x42: {  	_ =	shalt  }
0x43: {  	_ =	shalt  }
0x44: {  	_ =	shalt  }
0x45: {  	_ =	shalt  }
0x46: {  	_ =	shalt  }
0x47: {  	_ =	shalt  }
0x48: {  	_ =	shalt  }
0x49: {  	_ =	shalt  }
0x4a: {  	_ =	shalt  }
0x4b: {  	_ =	shalt  }
0x4c: {  	_ =	shalt  }
0x4d: {  	_ =	shalt  }
0x4e: {  	_ =	shalt  }
0x4f: {  	_ =	shalt  }
0x50: {  	_ =	shalt  }
0x51: {  	_ =	shalt  }
0x52: {  	_ =	shalt  }
0x53: {  	_ =	shalt  }
0x54: {  	_ =	shalt  }
0x55: {  	_ =	shalt  }
0x56: {  	_ =	shalt  }
0x57: {  	_ =	shalt  }
0x58: {  	_ =	shalt  }
0x59: {  	_ =	shalt  }
0x5a: {  	_ =	shalt  }
0x5b: {  	_ =	shalt  }
0x5c: {  	_ =	shalt  }
0x5d: {  	_ =	shalt  }
0x5e: {  	_ =	shalt  }
0x5f: {  	_ =	shalt  }
0x60: {  	_ =	shalt  }
0x61: {  	_ =	shalt  }
0x62: {  	_ =	shalt  }
0x63: {  	_ =	shalt  }
0x64: {  	_ =	shalt  }
0x65: {  	_ =	shalt  }
0x66: {  	_ =	shalt  }
0x67: {  	_ =	shalt  }
0x68: {  	_ =	shalt  }
0x69: {  	_ =	shalt  }
0x6a: {  	_ =	shalt  }
0x6b: {  	_ =	shalt  }
0x6c: {  	_ =	shalt  }
0x6d: {  	_ =	shalt  }
0x6e: {  	_ =	shalt  }
0x6f: {  	_ =	shalt  }
0x70: {  	_ =	shalt  }
0x71: {  	_ =	shalt  }
0x72: {  	_ =	shalt  }
0x73: {  	_ =	shalt  }
0x74: {  	_ =	shalt  }
0x75: {  	_ =	shalt  }
0x76: {  	_ =	shalt  }
0x77: {  	_ =	shalt  }
0x78: {  	_ =	shalt  }
0x79: {  	_ =	shalt  }
0x7a: {  	_ =	shalt  }
0x7b: {  	_ =	shalt  }
0x7c: {  	_ =	shalt  }
0x7d: {  	_ =	shalt  }
0x7e: {  	_ =	shalt  }
0x7f: {  	_ =	shalt  }
0x80: {  	_ =	shalt  }
0x81: {  	_ =	shalt  }
0x82: {  	_ =	shalt  }
0x83: {  	_ =	shalt  }
0x84: {  	_ =	shalt  }
0x85: {  	_ =	shalt  }
0x86: {  	_ =	shalt  }
0x87: {  	_ =	shalt  }
.Lfunc_end0:
.L_simem_size_0:
called_computation_lowered:
.L_overlay_start_0:
0x88: {  	s2 =	sld [smem:$0x3FD9]  }
0x89: {  	s3 =	sld [smem:$0x3FFE];
	_ =	sdelay $0x1  }
0x8a: {  	s1 =	srdreg.scid  }
0x8b: {  	s0 =	sand.u32 $0x1, s1  }
0x8c: {  	s17 =	sshll.u32 s0, $0xA;
	s2 =	sadd.s32 s3, s2  }
0x8d: {  	s2 =	sadd.s32 s2, s17  }
0x8e: {  	[smem:$0x3FC2] =	sst s2  }
0x8f: {  	_ = 	snop  }
0x90: {  	s2 =	sld [smem:$0x3FC9]  }
0x91: {  	s18 =	sld [smem:$0x3FD0];
	(tm) =	ssettm $0x1  }
0x92: {  	s4 =	sld [smem:$0x3FFB];
	_ =	sdelay $0x3  }
0x93: {  	_ =	strace s4  }
0x94: {  	s4 =	sld [smem:$0x3FFC];
	_ =	sdelay $0x3  }
0x95: {  	_ =	strace s4  }
0x96: {  	s4 =	sld [smem:$0x3FFD];
	_ =	sdelay $0x3  }
0x97: {  	_ =	strace s4  }
0x98: {  	_ =	strace $0x8FFFFFFF  }
0x99: {  	s19 =	sld [smem:$0x3FDB];
	_ =	sdelay $0x1  }
0x9a: {  	s5 =	simm.s32 $_scs_section_size  }
0x9b: {  	s6 =	simm.s32 $_size__tile_overlayer_lowered;
	s7 =	simm.s32 $_tile_overlayer_lowered  }
0x9c: {  	s22 =	simm.s32 $0x1BFF;
	s21 =	sshll.u32 s7, $0x1;
	s4 =	sadd.s32 s5, s19  }
0x9d: {  	s8 =	simm.s32 $0x0;
	s20 =	sshll.u32 s6, $0x1;
	s6 =	sadd.s32 s21, s4  }
0x9e: {  	[timem:s8], [sflag:s22] =	dma.local [hbm:s6], s20  }
0x9f: {  	_ =	swait.ge [sflag:s22], s20  }
0xa0: {  	s5 =	ssub.s32 $0x0, s20;
	[sflag:s22] =	ssyncset.done $0x0  }
0xa1: {  	[sflag:s22] =	ssyncadd.s32 s5;
	_ =	sdelay $0x1  }
0xa2: {  	s23 =	simm.s32 $0x1B8B  }
0xa3: {  	_ =	swait.ge [sflag:s23], $0x1  }
0xa4: {  	[sflag:s23] =	ssyncset.done $0x0  }
0xa5: {  	s25 =	simm.s32 $0x1B8E;
	s24 =	sld [smem:$0x3FFE];
	[sflag:s23] =	ssyncadd.s32 $0xFFFFFFFF  }
0xa6: {  	s26 =	simm.s32 $execute0_lowered;
	[smem:$0x3FD2] =	sst s25  }
0xa7: {  	s6 =	sshll.u32 s26, $0x1;
	_ =	strace $0x80000046;
	[dreg:$0x1] =	wrdreg $0xFFFFFFFF  }
0xa8: {  	s28 =	simm.s32 $_size_execute0_lowered;
	s4 =	sadd.s32 s4, s6;
	[dreg:$0x0] =	wrdreg $0x0  }
0xa9: {  	s6 =	sshll.u32 s28, $0x1;
	[dreg:$0x2] =	wrdreg s4  }
0xaa: {  	[dreg:$0x3] =	wrdreg s6  }
0xab: {  	[dreg:$0x4] =	wrdreg $0xC0  }
0xac: {  	_ =	task [dreg:s8], $0x5FFFF  }
0xad: {  	[dreg:$0x1] =	wrdreg $0xFFFFFFFF  }
0xae: {  	[dreg:$0x0] =	wrdreg $0x60  }
0xaf: {  	[dreg:$0x2] =	wrdreg s2  }
0xb0: {  	[dreg:$0x3] =	wrdreg s18  }
0xb1: {  	[dreg:$0x4] =	wrdreg s24  }
0xb2: {  	[dreg:$0x5] =	wrdreg $0x9  }
0xb3: {  	_ =	task.clear_ibuf [dreg:s8], $0x6FFFF;
	_ =	strace $0x90000046  }
0xb4: {  	s29 =	simm.s32 $0x9;
	_ =	strace $0x80000048  }
0xb5: {  	_ =	swait.ge [sflag:s29], $0x1  }
0xb6: {  	[sflag:s29] =	ssyncadd.s32 $0xFFFFFFFF  }
0xb7: {  	_ =	strace $0x90000048  }
0xb8: {  	_ =	sfence  }
0xb9: {  	s30 =	sld [smem:$0x0];
	_ =	sdelay $0x2  }
0xba: {  	s31 =	sshll.u32 s1, $0xD;
	s1 =	sshrl.u32 s1, $0x2  }
0xbb: {  	s3 =	sand.u32 $0x4000, s31;
	s1 =	sadd.s32 s1, s30  }
0xbc: {  	s0 =	sor.u32 s3, s0;
	s1 =	sshll.u32 s1, $0x11  }
0xbd: {  	s0 =	sor.u32 s1, s0  }
0xbe: {  	s0 =	sadd.s32 $0x8F2B, s0  }
0xbf: {  	[sflag:s0] =	ssyncadd.remote.s32 $0x1  }
0xc0: {  	_ =	sfence.sel $0xFFFF  }
0xc1: {  	[dreg:$0x0] =	wrdreg $0xFFFFFFFF;
	(pc) =	sbr.abs _section_cstart, $3  }
0xc2: {  	[dreg:$0x1] =	wrdreg $0xFFFFFFFF  }
0xc3: {  	_ =	task.clear_ibuf [dreg:s8], $0x2FFFF;
	_ =	strace $0x9FFFFFFF  }
0xc4: {  	(tm) =	ssettm $0x7FFFFFFF  }
0xc5: {  	_ =	shalt  }
tec
execute0_lowered:
.L_overlay_start_1:
0x0: {  	(tag) =	ssettag $0x1  }
0x1: {  	s1 =	srdreg.scid;
	s5 =	rddreg [dreg:$0x0]  }
0x2: {  	s0 =	stileid.u32;
	s2 =	rddreg [dreg:$0x1]  }
0x3: {  	s6 =	rddreg [dreg:$0x2];
	s3 =	simm.s32 $0x0;
	s11 =	simm.s32 $0x4  }
0x4: {  	s12 =	simm.s32 $0x1;
	s4 =	sand.u32 $0x1, s1;
	s30 =	sshll.u32 s0, $0x1  }
0x5: {  	s13 =	simm.s32 $0xD00;
	s14 =	simm.s32 $0x2;
	s1 =	sor.u32 s4, s30  }
0x6: {  	s15 =	simm.s32 $0x1320;
	s16 =	simm.s32 $0x3;
	s7 =	smul.u32 $0xC40, s1  }
0x7: {  	s17 =	simm.s32 $0x0;
	[smem:$0x7FF] =	sst s3;
	s8 =	sadd.s32 $0xE00, s6  }
0x8: {  	s4 =	ssub.s32 $0x2, s4;
	s1 =	rddreg [dreg:$0x3];
	s7 =	smin.u32 s7, $0x17A60  }
0x9: {  	_ =	strace $0x80000047;
	s31 =	sshrl.u32 s4, $0x1;
	s7 =	sshrl.u32 s7, $0x3  }
0xa: {  	s10 =	ssub.s32 s4, s31;
	s9 =	sadd.s32 $0xC4, s7;
	s4 =	sadd.s32 s5, s7  }
0xb: {  	s6 =	sadd.s32 s8, s7;
	s5 =	sadd.s32 s5, s9;
	s7 =	sadd.s32 s8, s9  }
0xc: {  	s8 =	smax.u32 s10, $0x1;
	s9 =	simm.s32 $0x620;
	s10 =	simm.s32 $0xC80  }
.LBB2_1:
0xd: {  	[tilespmem:s3], [sflag:$0x1] =	stream.linear.gather [hbm4b:s4+s3], $0x620, $0x38;
	[tilespmem:$0x1980] =	vst v63  }
0xe: {  	_ = 	snop  }
0xf: {  	[tilespmem:s9], [sflag:$0x2] =	stream.linear.gather [hbm4b:s5+s3], $0x620, $0x38;
	[tilespmem:$0x1980] =	vst v63  }
0x10: {  	_ = 	snop  }
0x11: {  	[tilespmem:s10], [sflag:$0x4] =	stream.linear.gather [hbm4b:s2+s3], $0x80, $0x38;
	[tilespmem:$0x1980] =	vst v63  }
0x12: {  	_ =	swait.ge [sflag:s11], $0x80  }
0x13: {  	[sflag:s11] =	ssyncset.done $0x0  }
0x14: {  	[sflag:s11] =	ssyncadd.s32 $0xFFFFFF80  }
0x15: {  	_ =	swait.ge [sflag:s12], $0x620  }
0x16: {  	[sflag:s12] =	ssyncset.done $0x0  }
0x17: {  	s18 =	simm.s32 $0x30;
	[sflag:s12] =	ssyncadd.s32 $0xFFFFF9E0  }
0x18: {  	v1 =	vld [tilespmem:s18+$0x30]  }
0x19: {  	v2 =	vld [tilespmem:s18+$0xFFFFFFE0]  }
0x1a: {  	v3 =	vld [tilespmem:s18+$0xFFFFFFF0]  }
0x1b: {  	v4 =	vld [tilespmem:s18+$0x0]  }
0x1c: {  	v7 =	vld [tilespmem:s18+$0x10]  }
0x1d: {  	v8 =	vld [tilespmem:s18+$0x20];
	_ =	sdelay $0x1  }
0x1e: {  	v0 =	vld [tilespmem:s18+$0xFFFFFFD0]  }
0x1f: {  	v6 =	vld.idx.msk [tilespmem:v1+s10+$0x0], $0xffff  }
0x20: {  	v5 =	vld.idx.msk [tilespmem:v2+s10+$0x0], $0xffff  }
0x21: {  	v3 =	vld.idx.msk [tilespmem:v3+s10+$0x0], $0xffff  }
0x22: {  	v1 =	vld.idx.msk [tilespmem:v4+s10+$0x0], $0xffff  }
0x23: {  	v2 =	vld.idx.msk [tilespmem:v7+s10+$0x0], $0xffff  }
0x24: {  	s19 =	simm.s32 $0x0;
	s20 =	simm.s32 $0xA0;
	s18 =	simm.s32 $0xD30;
	v4 =	vld.idx.msk [tilespmem:v8+s10+$0x0], $0xffff  }
.LBB2_2:
0x25: {  	v7 =	vld [tilespmem:s20+$0x30];
	s19 =	sadd.s32 $0x7, s19;
	[tilespmem:s18+$0x30] =	vst v6  }
0x26: {  	v8 =	vld [tilespmem:s20+$0xFFFFFFE0];
	p0 =	slt.u32 s19, $0x5B;
	[tilespmem:s18+$0xFFFFFFE0] =	vst v5  }
0x27: {  	v9 =	vld [tilespmem:s20+$0xFFFFFFF0];
	[tilespmem:s18+$0xFFFFFFF0] =	vst v3  }
0x28: {  	v10 =	vld [tilespmem:s20+$0x0];
	[tilespmem:s18+$0x0] =	vst v1  }
0x29: {  	v11 =	vld [tilespmem:s20+$0x10];
	[tilespmem:s18+$0x10] =	vst v2  }
0x2a: {  	v12 =	vld [tilespmem:s20+$0x20];
	[tilespmem:s18+$0x20] =	vst v4  }
0x2b: {  	v2 =	vld [tilespmem:s20+$0xFFFFFFD0]  }
0x2c: {  	v13 =	vld.idx.msk [tilespmem:v0+s10+$0x0], $0xffff  }
0x2d: {  	v6 =	vld.idx.msk [tilespmem:v7+s10+$0x0], $0xffff  }
.Ltmp0:
0x2e: {  	v5 =	vld.idx.msk [tilespmem:v8+s10+$0x0], $0xffff;
	(pc) =	sbr.rel @p0 .LBB2_2-.Ltmp0, $4  }
0x2f: {  	v3 =	vld.idx.msk [tilespmem:v9+s10+$0x0], $0xffff  }
0x30: {  	v1 =	vld.idx.msk [tilespmem:v10+s10+$0x0], $0xffff;
	v0 =	vmov v2  }
0x31: {  	v2 =	vld.idx.msk [tilespmem:v11+s10+$0x0], $0xffff  }
0x32: {  	s20 =	sadd.s32 $0x70, s20;
	v4 =	vld.idx.msk [tilespmem:v12+s10+$0x0], $0xffff;
	[tilespmem:s18+$0xFFFFFFD0] =	vst v13;
	s18 =	sadd.s32 $0x70, s18  }
0x33: {  	_ =	sdelay $0x2  }
0x34: {  	[tilespmem:s18+$0x30] =	vst v6  }
0x35: {  	[tilespmem:s18+$0xFFFFFFE0] =	vst v5;
	v0 =	vld.idx.msk [tilespmem:v0+s10+$0x0], $0xffff  }
0x36: {  	[tilespmem:s18+$0xFFFFFFF0] =	vst v3  }
0x37: {  	[tilespmem:s18+$0x0] =	vst v1  }
0x38: {  	[tilespmem:s18+$0x10] =	vst v2  }
0x39: {  	[tilespmem:s18+$0x20] =	vst v4  }
0x3a: {  	s31 =	simm.s32 $0x0;
	[tilespmem:s18+$0xFFFFFFD0] =	vst v0  }
0x3b: {  	[hbm4b:s6+s31] =	stream.linear.scatter [tilespmem:s13], [sflag:$0x3], $0x620, $0x38;
	[tilespmem:$0x1980] =	vst v63  }
0x3c: {  	_ =	swait.ge [sflag:s14], $0x620  }
0x3d: {  	[sflag:s14] =	ssyncset.done $0x0  }
0x3e: {  	s19 =	simm.s32 $0x670;
	[sflag:s14] =	ssyncadd.s32 $0xFFFFF9E0  }
0x3f: {  	s18 =	sand.u32 $0x7F0, s31;
	v1 =	vld [tilespmem:s19+$0x0]  }
0x40: {  	v2 =	vld [tilespmem:s18+$0x680]  }
0x41: {  	v3 =	vld [tilespmem:s19+$0xFFFFFFC0]  }
0x42: {  	v4 =	vld [tilespmem:s19+$0xFFFFFFD0]  }
0x43: {  	v7 =	vld [tilespmem:s19+$0xFFFFFFE0]  }
0x44: {  	v8 =	vld [tilespmem:s19+$0xFFFFFFF0];
	_ =	sdelay $0x1  }
0x45: {  	v0 =	vld [tilespmem:s19+$0xFFFFFFB0]  }
0x46: {  	v6 =	vld.idx.msk [tilespmem:v1+s10+$0x0], $0xffff  }
0x47: {  	v5 =	vld.idx.msk [tilespmem:v2+s10+$0x0], $0xffff  }
0x48: {  	v2 =	vld.idx.msk [tilespmem:v3+s10+$0x0], $0xffff  }
0x49: {  	v1 =	vld.idx.msk [tilespmem:v4+s10+$0x0], $0xffff  }
0x4a: {  	s20 =	simm.s32 $0x0;
	v3 =	vld.idx.msk [tilespmem:v7+s10+$0x0], $0xffff  }
0x4b: {  	s21 =	simm.s32 $0x70;
	s22 =	simm.s32 $0x6E0;
	s19 =	simm.s32 $0x1370;
	v4 =	vld.idx.msk [tilespmem:v8+s10+$0x0], $0xffff  }
.LBB2_4:
0x4c: {  	v7 =	vld [tilespmem:s22+$0x0];
	s23 =	sand.u32 $0x7F0, s21;
	s20 =	sadd.s32 $0x7, s20;
	[tilespmem:s19+$0x0] =	vst v6  }
0x4d: {  	v8 =	vld [tilespmem:s23+$0x680];
	p0 =	slt.u32 s20, $0x5B;
	[tilespmem:s18+$0x1380] =	vst v5;
	s18 =	smov.u32 s23  }
0x4e: {  	v9 =	vld [tilespmem:s22+$0xFFFFFFC0];
	[tilespmem:s19+$0xFFFFFFC0] =	vst v2  }
0x4f: {  	v10 =	vld [tilespmem:s22+$0xFFFFFFD0];
	[tilespmem:s19+$0xFFFFFFD0] =	vst v1  }
0x50: {  	v11 =	vld [tilespmem:s22+$0xFFFFFFE0];
	[tilespmem:s19+$0xFFFFFFE0] =	vst v3  }
0x51: {  	v12 =	vld [tilespmem:s22+$0xFFFFFFF0];
	[tilespmem:s19+$0xFFFFFFF0] =	vst v4  }
0x52: {  	v3 =	vld [tilespmem:s22+$0xFFFFFFB0]  }
0x53: {  	v13 =	vld.idx.msk [tilespmem:v0+s10+$0x0], $0xffff  }
0x54: {  	v6 =	vld.idx.msk [tilespmem:v7+s10+$0x0], $0xffff  }
.Ltmp1:
0x55: {  	v5 =	vld.idx.msk [tilespmem:v8+s10+$0x0], $0xffff;
	(pc) =	sbr.rel @p0 .LBB2_4-.Ltmp1, $4  }
0x56: {  	v2 =	vld.idx.msk [tilespmem:v9+s10+$0x0], $0xffff  }
0x57: {  	v1 =	vld.idx.msk [tilespmem:v10+s10+$0x0], $0xffff;
	v0 =	vmov v3  }
0x58: {  	v3 =	vld.idx.msk [tilespmem:v11+s10+$0x0], $0xffff  }
0x59: {  	s21 =	sadd.s32 $0x70, s21;
	s22 =	sadd.s32 $0x70, s22;
	v4 =	vld.idx.msk [tilespmem:v12+s10+$0x0], $0xffff;
	[tilespmem:s19+$0xFFFFFFB0] =	vst v13;
	s19 =	sadd.s32 $0x70, s19  }
0x5a: {  	_ =	sdelay $0x2  }
0x5b: {  	[tilespmem:s19+$0x0] =	vst v6  }
0x5c: {  	[tilespmem:s18+$0x1380] =	vst v5;
	v0 =	vld.idx.msk [tilespmem:v0+s10+$0x0], $0xffff  }
0x5d: {  	[tilespmem:s19+$0xFFFFFFC0] =	vst v2  }
0x5e: {  	[tilespmem:s19+$0xFFFFFFD0] =	vst v1  }
0x5f: {  	[tilespmem:s19+$0xFFFFFFE0] =	vst v3  }
0x60: {  	[tilespmem:s19+$0xFFFFFFF0] =	vst v4  }
0x61: {  	s17 =	sadd.s32 $0x1, s17;
	[tilespmem:s19+$0xFFFFFFB0] =	vst v0  }
0x62: {  	[hbm4b:s7+s3] =	stream.linear.scatter [tilespmem:s15], [sflag:$0x3], $0x620, $0x38;
	[tilespmem:$0x1980] =	vst v63  }
0x63: {  	p0 =	sne.s32 s17, s8;
	_ =	swait.ge [sflag:s16], $0x620  }
.Ltmp2:
0x64: {  	[sflag:s16] =	ssyncset.done $0x0;
	(pc) =	sbr.rel @p0 .LBB2_1-.Ltmp2, $4  }
0x65: {  	[sflag:s16] =	ssyncadd.s32 $0xFFFFF9E0  }
0x66: {  	_ =	swait.ge [sflag:s16], $0x620  }
0x67: {  	[sflag:s16] =	ssyncset.done $0x0  }
0x68: {  	[sflag:s16] =	ssyncadd.s32 $0xFFFFF9E0  }
0x69: {  	_ =	sfence.sel $0x180000  }
0x6a: {  	[bflag:$0x0] =	sbarrier.arrive $0xFFFF  }
0x6b: {  	p0 =	sne.s32 s0, $0x0;
	_ =	strace $0x90000047  }
0x6c: {  	s0 =	sadd.s32 @!p0 $0x100000, s1;
	[bflag:$0x2] =	sbarrier.arrive $0xFFFF  }
0x6d: {  	[sflag:s0] =	ssyncadd.tile.s32 @!p0 $0x1;
	_ =	shalt  }
.Lfunc_end2:
_tile_overlayer_lowered:
.L_overlay_start_2:
0x6e: {  	(tag) =	ssettag $0x2  }
0x6f: {  	s0 =	rddreg [dreg:$0x0];
	s2 =	stileid.u32  }
0x70: {  	s1 =	rddreg [dreg:$0x1];
	p0 =	sne.s32 s2, $0x0  }
0x71: {  	s3 =	rddreg [dreg:$0x2];
	[bflag:$0x3] =	sbarrier.arrive $0xFFFF;
	s2 =	simm.s32 @!p0 $0x1C04  }
0x72: {  	[timem:s3], [sflag:s2] =	dma.local @!p0 [hbm:s0], s1  }
0x73: {  	s0 =	simm.s32 @!p0 $0x4  }
0x74: {  	_ =	swait.ge @!p0 [sflag:s0], s1  }
0x75: {  	s1 =	ssub.s32 @!p0 $0x0, s1;
	[sflag:s0] =	ssyncset.done @!p0 $0x0  }
0x76: {  	[sflag:s0] =	ssyncadd.s32 @!p0 s1  }
0x77: {  	[bflag:$0x3] =	sbarrier.arrive $0xFFFF  }
0x78: {  	_ =	shalt  }

</sc_bundles>
